<compile_context>
chip_gen: v7x
topology: tpu7x:2x2x1
jax: 0.10.2.dev20260603
libtpu: 0.0.44.dev20260713+nightly
codegen_flags: <defaults>
</compile_context>

<pallas_src>
import functools

import jax
import jax.numpy as jnp
from jax import lax
from jax.experimental import pallas as pl
from jax.experimental.pallas import tpu as pltpu
from jax.experimental.pallas import tpu_sc as plsc

_N_NODES = 10000
_N_EDGES = 320000
_D_FEAT = 128
_D_EDGE = 16

_NW = 32
_PER_W = _N_EDGES // _NW
_CE = 2000
_CHUNKS = _PER_W // _CE


def _tables_body(xn_ref, w0_ref, w1_ref, a_ref, b_ref):
    x = xn_ref[...]
    a_ref[...] = jnp.dot(x, w0_ref[...], preferred_element_type=jnp.float32)
    b_ref[...] = jnp.dot(x, w1_ref[...], preferred_element_type=jnp.float32)


def _merge_body(xe2_ref, w2b_ref, bb_ref, g_ref, o_ref):
    o_ref[...] = (
        jnp.dot(xe2_ref[...], w2b_ref[...], preferred_element_type=jnp.float32)
        + bb_ref[...]
        + g_ref[...]
    )


def _make_sc_gather_sum():
    mesh = plsc.VectorSubcoreMesh(core_axis_name="c", subcore_axis_name="s")

    @functools.partial(
        pl.kernel,
        mesh=mesh,
        compiler_params=pltpu.CompilerParams(use_tc_tiling_on_sc=False),
        out_type=jax.ShapeDtypeStruct((_N_EDGES, _D_EDGE), jnp.float32),
        scratch_types=[
            pltpu.VMEM((_CE,), jnp.int32),
            pltpu.VMEM((_CE,), jnp.int32),
            pltpu.VMEM((_CE, _D_EDGE), jnp.float32),
            pltpu.SemaphoreType.DMA,
            pltpu.SemaphoreType.DMA,
        ],
    )
    def sc_gather_sum(a_hbm, b_hbm, e0_hbm, e1_hbm, out_hbm,
                      idx0, idx1, acc, sem_a, sem_b):
        wid = lax.axis_index("s") * 2 + lax.axis_index("c")
        base = wid * _PER_W

        def chunk(j, carry):
            off = base + j * _CE
            cp0 = pltpu.async_copy(e0_hbm.at[pl.ds(off, _CE)], idx0, sem_a)
            cp1 = pltpu.async_copy(e1_hbm.at[pl.ds(off, _CE)], idx1, sem_b)
            cp0.wait()
            cp1.wait()
            pltpu.async_copy(a_hbm.at[idx0], acc, sem_a).wait()
            pltpu.async_copy(b_hbm.at[idx1], acc, sem_b, add=True).wait()
            pltpu.sync_copy(acc, out_hbm.at[pl.ds(off, _CE)])
            return carry

        lax.fori_loop(0, _CHUNKS, chunk, 0)

    return sc_gather_sum


_sc_gather_sum = _make_sc_gather_sum()


def kernel(x_node, x_edge, edge_index, W, b):
    e = edge_index.astype(jnp.int32)
    e0 = e[:, 0]
    e1 = e[:, 1]
    w0 = W[:_D_FEAT]
    w1 = W[_D_FEAT:2 * _D_FEAT]
    w2 = W[2 * _D_FEAT:]

    tab_a, tab_b = pl.pallas_call(
        _tables_body,
        out_shape=[
            jax.ShapeDtypeStruct((_N_NODES, _D_EDGE), jnp.float32),
            jax.ShapeDtypeStruct((_N_NODES, _D_EDGE), jnp.float32),
        ],
    )(x_node, w0, w1)

    gsum = _sc_gather_sum(tab_a, tab_b, e0, e1)

    rows = _N_EDGES // 8
    gsum2 = gsum.reshape(rows, 128)
    w2_blk = jnp.kron(jnp.eye(8, dtype=jnp.float32), w2)
    b_blk = jnp.tile(b, 8)[None, :]
    xe2 = x_edge.reshape(rows, 128)
    blk = rows // 8
    out2 = pl.pallas_call(
        _merge_body,
        grid=(8,),
        in_specs=[
            pl.BlockSpec((blk, 128), lambda i: (i, 0)),
            pl.BlockSpec((128, 128), lambda i: (0, 0)),
            pl.BlockSpec((1, 128), lambda i: (0, 0)),
            pl.BlockSpec((blk, 128), lambda i: (i, 0)),
        ],
        out_specs=pl.BlockSpec((blk, 128), lambda i: (i, 0)),
        out_shape=jax.ShapeDtypeStruct((rows, 128), jnp.float32),
    )(xe2, w2_blk, b_blk, gsum2)
    return out2.reshape(_N_EDGES, _D_EDGE)

# --- scband reference (transcript-rebuilt; emitter-appended) ---
"""Pipeline reference for scband-edge-block-11373073400275 (READ-ONLY COPY).

The authoritative reference and input builder live on the scoring server;
editing this copy changes nothing except your own understanding.
"""

import jax, jax.numpy as jnp
import numpy as np

N_NODES = 10000
N_EDGES = 320000
D_FEAT = 128
D_EDGE = 16
D_IN = 2 * D_FEAT + D_EDGE  # 272
D_OUT = D_EDGE  # 16


def setup_inputs(seed: int = 0) -> dict:
    key = jax.random.key(seed)
    k1, k2, k3, k4, k5 = jax.random.split(key, 5)
    x_node = jax.random.normal(k1, (N_NODES, D_FEAT), dtype=jnp.float32)
    x_edge = jax.random.normal(k2, (N_EDGES, D_EDGE), dtype=jnp.float32)
    edge_index = jax.random.randint(k3, (N_EDGES, 2), 0, N_NODES, dtype=jnp.int64)
    # Learned parameters for custom_func = nn.Linear(272, 16)
    W = jax.random.normal(k4, (D_IN, D_OUT), dtype=jnp.float32) * (1.0 / np.sqrt(D_IN))
    b = jax.random.normal(k5, (D_OUT,), dtype=jnp.float32) * 0.01
    return {"x_node": x_node, "x_edge": x_edge, "edge_index": edge_index, "W": W, "b": b}


def reference(x_node, x_edge, edge_index, W, b):
    # EdgeBlock.forward: gather endpoint node features per edge,
    # concatenate [v0, v1, x_edge], apply custom_func (Linear).
    e0 = edge_index[:, 0]
    e1 = edge_index[:, 1]
    v0 = jnp.take(x_node, e0, axis=0)
    v1 = jnp.take(x_node, e1, axis=0)
    x_new = jnp.concatenate([v0, v1, x_edge], axis=1)  # torch.column_stack
    x_edge_new = x_new @ W + b
    # Original returns Data(x_edge=x_edge_new, x_node=x_node, edge_index=edges);
    # x_node and edge_index pass through unchanged, so return the new edge features.
    return x_edge_new

if __name__ == "__main__":
    import jax
    _d = setup_inputs()
    print(jax.jit(kernel)(*tuple(_d.values())))

</pallas_src>

<mosaic_0001>
#map = affine_map<(d0, d1) -> (0, 0)>
#map1 = affine_map<(d0, d1) -> (0)>
module attributes {stable_mosaic.version = 14 : i64} {
  func.func @sc_gather_sum(%arg0: i32, %arg1: i32, %arg2: memref<10000x16xf32, #tpu.memory_space<hbm>>, %arg3: memref<10000x16xf32, #tpu.memory_space<hbm>>, %arg4: memref<320000xi32, #tpu.memory_space<hbm>>, %arg5: memref<320000xi32, #tpu.memory_space<hbm>>, %arg6: memref<320000x16xf32, #tpu.memory_space<hbm>>, %arg7: memref<2000xi32, #tpu.memory_space<vmem>>, %arg8: memref<2000xi32, #tpu.memory_space<vmem>>, %arg9: memref<2000x16xf32, #tpu.memory_space<vmem>>, %arg10: memref<!tpu.dma_semaphore, #tpu.memory_space<semaphore_mem>>, %arg11: memref<!tpu.dma_semaphore, #tpu.memory_space<semaphore_mem>>) attributes {dimension_semantics = [#tpu.dimension_semantics<core_parallel>, #tpu.dimension_semantics<subcore_parallel>], iteration_bounds = array<i64: 2, 16>, scalar_prefetch = 0 : i64, scratch_operands = 5 : i64, tpu.core_type = #tpu.core_type<sc_vector_subcore>, window_params = [{transform_indices = #map}, {transform_indices = #map}, {transform_indices = #map1}, {transform_indices = #map1}, {transform_indices = #map}]} {
    %mul3A = arith.constant 2 : i32
    %mul3A_0 = arith.muli %arg1, %mul3A : i32
    %add3A = arith.addi %mul3A_0, %arg0 : i32
    %mul3A_1 = arith.constant 10000 : i32
    %mul3A_2 = arith.muli %add3A, %mul3A_1 : i32
    %scan3A = arith.constant 0 : i32
    %scan3A_3 = arith.constant 0 : i32
    %scan3A_4 = arith.constant 5 : i32
    %scan3A_5 = arith.addi %scan3A_3, %scan3A_4 : i32
    %scan3A_6 = arith.constant 1 : i32
    scf.for %scan3A_8 = %scan3A_3 to %scan3A_5 step %scan3A_6  : i32 {
      %mul3A_9 = arith.constant 2000 : i32
      %mul3A_10 = arith.muli %scan3A_8, %mul3A_9 : i32
      %add3A_11 = arith.addi %mul3A_2, %mul3A_10 : i32
      %dma_start3A = tpu.memref_slice %arg4[%add3A_11] : memref<320000xi32, #tpu.memory_space<hbm>> -> memref<2000xi32, #tpu.memory_space<hbm>>
      %dma_start3A_12 = tpu.memref_slice %arg4[%add3A_11] : memref<320000xi32, #tpu.memory_space<hbm>> -> memref<2000xi32, #tpu.memory_space<hbm>>
      tpu.enqueue_dma source(%dma_start3A_12 : memref<2000xi32, #tpu.memory_space<hbm>>) target(%arg7 : memref<2000xi32, #tpu.memory_space<vmem>>) target_semaphore(%arg10 : memref<!tpu.dma_semaphore, #tpu.memory_space<semaphore_mem>>)
      %dma_start3A_13 = tpu.memref_slice %arg5[%add3A_11] : memref<320000xi32, #tpu.memory_space<hbm>> -> memref<2000xi32, #tpu.memory_space<hbm>>
      %dma_start3A_14 = tpu.memref_slice %arg5[%add3A_11] : memref<320000xi32, #tpu.memory_space<hbm>> -> memref<2000xi32, #tpu.memory_space<hbm>>
      tpu.enqueue_dma source(%dma_start3A_14 : memref<2000xi32, #tpu.memory_space<hbm>>) target(%arg8 : memref<2000xi32, #tpu.memory_space<vmem>>) target_semaphore(%arg11 : memref<!tpu.dma_semaphore, #tpu.memory_space<semaphore_mem>>)
      %dma_wait3A = tpu.memref_slice %arg4[%add3A_11] : memref<320000xi32, #tpu.memory_space<hbm>> -> memref<2000xi32, #tpu.memory_space<hbm>>
      %dma_wait3A_15 = tpu.memref_slice %arg4[%add3A_11] : memref<320000xi32, #tpu.memory_space<hbm>> -> memref<2000xi32, #tpu.memory_space<hbm>>
      tpu.wait_dma2 semaphore(%arg10 : memref<!tpu.dma_semaphore, #tpu.memory_space<semaphore_mem>>) src(%dma_wait3A_15 : memref<2000xi32, #tpu.memory_space<hbm>>) dst(%arg7 : memref<2000xi32, #tpu.memory_space<vmem>>)
      %dma_wait3A_16 = tpu.memref_slice %arg5[%add3A_11] : memref<320000xi32, #tpu.memory_space<hbm>> -> memref<2000xi32, #tpu.memory_space<hbm>>
      %dma_wait3A_17 = tpu.memref_slice %arg5[%add3A_11] : memref<320000xi32, #tpu.memory_space<hbm>> -> memref<2000xi32, #tpu.memory_space<hbm>>
      tpu.wait_dma2 semaphore(%arg11 : memref<!tpu.dma_semaphore, #tpu.memory_space<semaphore_mem>>) src(%dma_wait3A_17 : memref<2000xi32, #tpu.memory_space<hbm>>) dst(%arg8 : memref<2000xi32, #tpu.memory_space<vmem>>)
      %dma_start3A_18 = arith.constant 0 : i32
      %dma_start3A_19 = arith.constant 0 : i32
      %dma_start3A_20 = tpu.memref_slice %arg2[%dma_start3A_18, %dma_start3A_19] : memref<10000x16xf32, #tpu.memory_space<hbm>> -> memref<10000x16xf32, #tpu.memory_space<hbm>>
      tpu.enqueue_indirect_dma source(%dma_start3A_20 : memref<10000x16xf32, #tpu.memory_space<hbm>>) target(%arg9 : memref<2000x16xf32, #tpu.memory_space<vmem>>) offsets(%arg7 : memref<2000xi32, #tpu.memory_space<vmem>>) semaphore(%arg10 : memref<!tpu.dma_semaphore, #tpu.memory_space<semaphore_mem>>)
      %dma_wait3A_21 = arith.constant 0 : i32
      %dma_wait3A_22 = arith.constant 0 : i32
      %dma_wait3A_23 = tpu.memref_slice %arg2[%dma_wait3A_21, %dma_wait3A_22] : memref<10000x16xf32, #tpu.memory_space<hbm>> -> memref<10000x16xf32, #tpu.memory_space<hbm>>
      tpu.wait_indirect_dma semaphore(%arg10 : memref<!tpu.dma_semaphore, #tpu.memory_space<semaphore_mem>>) src(%dma_wait3A_23 : memref<10000x16xf32, #tpu.memory_space<hbm>>) dst(%arg9 : memref<2000x16xf32, #tpu.memory_space<vmem>>)
      %dma_start3A_24 = arith.constant 0 : i32
      %dma_start3A_25 = arith.constant 0 : i32
      %dma_start3A_26 = tpu.memref_slice %arg3[%dma_start3A_24, %dma_start3A_25] : memref<10000x16xf32, #tpu.memory_space<hbm>> -> memref<10000x16xf32, #tpu.memory_space<hbm>>
      tpu.enqueue_indirect_dma source(%dma_start3A_26 : memref<10000x16xf32, #tpu.memory_space<hbm>>) target(%arg9 : memref<2000x16xf32, #tpu.memory_space<vmem>>) offsets(%arg8 : memref<2000xi32, #tpu.memory_space<vmem>>) semaphore(%arg11 : memref<!tpu.dma_semaphore, #tpu.memory_space<semaphore_mem>>) {add = true}
      %dma_wait3A_27 = arith.constant 0 : i32
      %dma_wait3A_28 = arith.constant 0 : i32
      %dma_wait3A_29 = tpu.memref_slice %arg3[%dma_wait3A_27, %dma_wait3A_28] : memref<10000x16xf32, #tpu.memory_space<hbm>> -> memref<10000x16xf32, #tpu.memory_space<hbm>>
      tpu.wait_indirect_dma semaphore(%arg11 : memref<!tpu.dma_semaphore, #tpu.memory_space<semaphore_mem>>) src(%dma_wait3A_29 : memref<10000x16xf32, #tpu.memory_space<hbm>>) dst(%arg9 : memref<2000x16xf32, #tpu.memory_space<vmem>>)
      "tpu.region"() ({
        %run_scoped3A = tpu.sem_alloc : memref<!tpu.dma_semaphore, #tpu.memory_space<semaphore_mem>>
        %dma_start3A_30 = arith.constant 0 : i32
        %dma_start3A_31 = tpu.memref_slice %arg6[%add3A_11, %dma_start3A_30] : memref<320000x16xf32, #tpu.memory_space<hbm>> -> memref<2000x16xf32, #tpu.memory_space<hbm>>
        %dma_start3A_32 = arith.constant 0 : i32
        %dma_start3A_33 = tpu.memref_slice %arg6[%add3A_11, %dma_start3A_32] : memref<320000x16xf32, #tpu.memory_space<hbm>> -> memref<2000x16xf32, #tpu.memory_space<hbm>>
        tpu.enqueue_dma source(%arg9 : memref<2000x16xf32, #tpu.memory_space<vmem>>) target(%dma_start3A_33 : memref<2000x16xf32, #tpu.memory_space<hbm>>) target_semaphore(%run_scoped3A : memref<!tpu.dma_semaphore, #tpu.memory_space<semaphore_mem>>)
        %dma_wait3A_34 = arith.constant 0 : i32
        %dma_wait3A_35 = tpu.memref_slice %arg6[%add3A_11, %dma_wait3A_34] : memref<320000x16xf32, #tpu.memory_space<hbm>> -> memref<2000x16xf32, #tpu.memory_space<hbm>>
        %dma_wait3A_36 = arith.constant 0 : i32
        %dma_wait3A_37 = tpu.memref_slice %arg6[%add3A_11, %dma_wait3A_36] : memref<320000x16xf32, #tpu.memory_space<hbm>> -> memref<2000x16xf32, #tpu.memory_space<hbm>>
        tpu.wait_dma2 semaphore(%run_scoped3A : memref<!tpu.dma_semaphore, #tpu.memory_space<semaphore_mem>>) src(%arg9 : memref<2000x16xf32, #tpu.memory_space<vmem>>) dst(%dma_wait3A_37 : memref<2000x16xf32, #tpu.memory_space<hbm>>)
        tpu.yield
      }) : () -> ()
    }
    %scan3A_7 = arith.constant 5 : i32
    return
  }
}

module attributes {stable_mosaic.version = 14 : i64} {
  func.func @_tables_body(%arg0: memref<10000x128xf32, #tpu.memory_space<vmem>>, %arg1: memref<128x16xf32, #tpu.memory_space<vmem>>, %arg2: memref<128x16xf32, #tpu.memory_space<vmem>>, %arg3: memref<10000x16xf32, #tpu.memory_space<vmem>>, %arg4: memref<10000x16xf32, #tpu.memory_space<vmem>>) attributes {dimension_semantics = [], scalar_prefetch = 0 : i64, scratch_operands = 0 : i64, tpu.core_type = #tpu.core_type<tc>} {
    %get3A = arith.constant 0 : index
    %get3A_0 = arith.constant 0 : index
    %get3A_1 = vector.load %arg0[%get3A, %get3A_0] : memref<10000x128xf32, #tpu.memory_space<vmem>>, vector<10000x128xf32>
    %get3A_2 = arith.constant 0 : index
    %get3A_3 = arith.constant 0 : index
    %get3A_4 = vector.load %arg1[%get3A_2, %get3A_3] : memref<128x16xf32, #tpu.memory_space<vmem>>, vector<128x16xf32>
    %dot_general3A = arith.constant dense<0.000000e+00> : vector<10000x16xf32>
    %dot_general3A_5 = tpu.matmul %get3A_1, %get3A_4, %dot_general3A {dimension_numbers = #tpu.dot_dimension_numbers<[1], [0], [0], [1], [0, 0, 1, 1], [], []>, transpose_lhs_hint = false} : vector<10000x128xf32>, vector<128x16xf32>, vector<10000x16xf32> -> vector<10000x16xf32>
    %swap3A = arith.constant 0 : index
    %swap3A_6 = arith.constant 0 : index
    %swap3A_7 = vector.load %arg3[%swap3A, %swap3A_6] : memref<10000x16xf32, #tpu.memory_space<vmem>>, vector<10000x16xf32>
    tpu.vector_store %arg3[%swap3A, %swap3A_6], %dot_general3A_5 {strides = array<i32>} : memref<10000x16xf32, #tpu.memory_space<vmem>>, vector<10000x16xf32>,
    %get3A_8 = arith.constant 0 : index
    %get3A_9 = arith.constant 0 : index
    %get3A_10 = vector.load %arg2[%get3A_8, %get3A_9] : memref<128x16xf32, #tpu.memory_space<vmem>>, vector<128x16xf32>
    %dot_general3A_11 = arith.constant dense<0.000000e+00> : vector<10000x16xf32>
    %dot_general3A_12 = tpu.matmul %get3A_1, %get3A_10, %dot_general3A_11 {dimension_numbers = #tpu.dot_dimension_numbers<[1], [0], [0], [1], [0, 0, 1, 1], [], []>, transpose_lhs_hint = false} : vector<10000x128xf32>, vector<128x16xf32>, vector<10000x16xf32> -> vector<10000x16xf32>
    %swap3A_13 = arith.constant 0 : index
    %swap3A_14 = arith.constant 0 : index
    %swap3A_15 = vector.load %arg4[%swap3A_13, %swap3A_14] : memref<10000x16xf32, #tpu.memory_space<vmem>>, vector<10000x16xf32>
    tpu.vector_store %arg4[%swap3A_13, %swap3A_14], %dot_general3A_12 {strides = array<i32>} : memref<10000x16xf32, #tpu.memory_space<vmem>>, vector<10000x16xf32>,
    return
  }
}

module attributes {stable_mosaic.version = 14 : i64} {
  func.func @_merge_body(%arg0: i32, %arg1: memref<5000x128xf32, #tpu.memory_space<vmem>>, %arg2: memref<128x128xf32, #tpu.memory_space<vmem>>, %arg3: memref<1x128xf32, #tpu.memory_space<vmem>>, %arg4: memref<5000x128xf32, #tpu.memory_space<vmem>>, %arg5: memref<5000x128xf32, #tpu.memory_space<vmem>>) attributes {dimension_semantics = [#tpu.dimension_semantics<arbitrary>], iteration_bounds = array<i64: 8>, scalar_prefetch = 0 : i64, scratch_operands = 0 : i64, tpu.core_type = #tpu.core_type<tc>, window_params = [{transform_indices = @transform_0, window_bounds = array<i64: 5000, 128>}, {pipeline_mode = #tpu.pipeline_mode<synchronous>, transform_indices = @transform_1, window_bounds = array<i64: 128, 128>}, {pipeline_mode = #tpu.pipeline_mode<synchronous>, transform_indices = @transform_2, window_bounds = array<i64: 1, 128>}, {transform_indices = @transform_3, window_bounds = array<i64: 5000, 128>}, {transform_indices = @transform_4, window_bounds = array<i64: 5000, 128>}]} {
    %get3A = arith.constant 0 : index
    %get3A_0 = arith.constant 0 : index
    %get3A_1 = vector.load %arg1[%get3A, %get3A_0] : memref<5000x128xf32, #tpu.memory_space<vmem>>, vector<5000x128xf32>
    %get3A_2 = arith.constant 0 : index
    %get3A_3 = arith.constant 0 : index
    %get3A_4 = vector.load %arg2[%get3A_2, %get3A_3] : memref<128x128xf32, #tpu.memory_space<vmem>>, vector<128x128xf32>
    %dot_general3A = arith.constant dense<0.000000e+00> : vector<5000x128xf32>
    %dot_general3A_5 = tpu.matmul %get3A_1, %get3A_4, %dot_general3A {dimension_numbers = #tpu.dot_dimension_numbers<[1], [0], [0], [1], [0, 0, 1, 1], [], []>, transpose_lhs_hint = false} : vector<5000x128xf32>, vector<128x128xf32>, vector<5000x128xf32> -> vector<5000x128xf32>
    %get3A_6 = arith.constant 0 : index
    %get3A_7 = arith.constant 0 : index
    %get3A_8 = vector.load %arg3[%get3A_6, %get3A_7] : memref<1x128xf32, #tpu.memory_space<vmem>>, vector<1x128xf32>
    %add3A = vector.broadcast %get3A_8 : vector<1x128xf32> to vector<5000x128xf32>
    %add3A_9 = arith.addf %dot_general3A_5, %add3A : vector<5000x128xf32>
    %get3A_10 = arith.constant 0 : index
    %get3A_11 = arith.constant 0 : index
    %get3A_12 = vector.load %arg4[%get3A_10, %get3A_11] : memref<5000x128xf32, #tpu.memory_space<vmem>>, vector<5000x128xf32>
    %add3A_13 = arith.addf %add3A_9, %get3A_12 : vector<5000x128xf32>
    %swap3A = arith.constant 0 : index
    %swap3A_14 = arith.constant 0 : index
    %swap3A_15 = vector.load %arg5[%swap3A, %swap3A_14] : memref<5000x128xf32, #tpu.memory_space<vmem>>, vector<5000x128xf32>
    tpu.vector_store %arg5[%swap3A, %swap3A_14], %add3A_13 {strides = array<i32>} : memref<5000x128xf32, #tpu.memory_space<vmem>>, vector<5000x128xf32>,
    return
  }
  func.func @transform_0(%arg0: i32) -> (i32, i32) {
    %c0_i32 = arith.constant 0 : i32
    %c0_i32_0 = arith.constant 0 : i32
    return %arg0, %c0_i32 : i32, i32
  }
  func.func @transform_1(%arg0: i32) -> (i32, i32) {
    %c0_i32 = arith.constant 0 : i32
    %c0_i32_0 = arith.constant 0 : i32
    %c0_i32_1 = arith.constant 0 : i32
    return %c0_i32, %c0_i32_0 : i32, i32
  }
  func.func @transform_2(%arg0: i32) -> (i32, i32) {
    %c0_i32 = arith.constant 0 : i32
    %c0_i32_0 = arith.constant 0 : i32
    %c0_i32_1 = arith.constant 0 : i32
    return %c0_i32, %c0_i32_0 : i32, i32
  }
  func.func @transform_3(%arg0: i32) -> (i32, i32) {
    %c0_i32 = arith.constant 0 : i32
    %c0_i32_0 = arith.constant 0 : i32
    return %arg0, %c0_i32 : i32, i32
  }
  func.func @transform_4(%arg0: i32) -> (i32, i32) {
    %c0_i32 = arith.constant 0 : i32
    %c0_i32_0 = arith.constant 0 : i32
    return %arg0, %c0_i32 : i32, i32
  }
}

</mosaic_0001>

<sc_bundles>
// kernel: kernel.5.cloned.1.call-start
scs
__scs_entry_jumppad:
0x0: {  	(pc) =	sbr.rel $0x88, $3  }
0x1: {  	(tag) =	ssettag $0x0;
	lr =	simm.s32 $0x1  }
0x2: {  	[smem:$0x3F9C] =	sst lr;
	_ =	strace $0xD0000000  }
0x3: {  	_ = 	snop  }
0x4: {  	_ = 	snop  }
0x5: {  	_ = 	snop  }
0x6: {  	_ = 	snop  }
0x7: {  	_ = 	snop  }
__scs_overlays_trampoline_lowered:
0x8: {  	[smem:$0x3FAB] =	sst s0  }
0x9: {  	[smem:$0x3FAC] =	sst s1  }
0xa: {  	[smem:$0x3FAD] =	sst s2  }
0xb: {  	[smem:$0x3FAE] =	sst s3  }
0xc: {  	[smem:$0x3FAF] =	sst s4  }
0xd: {  	[smem:$0x3FB0] =	sst s5  }
0xe: {  	[smem:$0x3FB1] =	sst s6  }
0xf: {  	[smem:$0x3FB2] =	sst s7  }
0x10: {  	[smem:$0x3FB3] =	sst s8  }
0x11: {  	[smem:$0x3FB4] =	sst s9;
	s0 =	simm.s32 @!p0 $0x0  }
0x12: {  	s1 =	sld [smem:$0x3F9A];
	s0 =	simm.s32 @p0 $0x1  }
0x13: {  	[smem:$0x3FB5] =	sst s0;
	s0 =	simm.s32 @!p1 $0x0  }
0x14: {  	s2 =	sld [smem:$0x3F99];
	s0 =	simm.s32 @p1 $0x1  }
0x15: {  	[smem:$0x3FB6] =	sst s0;
	s0 =	simm.s32 @!p2 $0x0  }
0x16: {  	s3 =	sld [smem:$0x3FDB];
	s0 =	simm.s32 @p2 $0x1  }
0x17: {  	s4 =	simm.s32 $0x1BF5;
	[smem:$0x3FB8] =	sst s0  }
0x18: {  	s0 =	sld [smem:$0x3F9B];
	_ =	swait.ge [sflag:s4], $0x0  }
0x19: {  	s7 =	sld [smem:$0x3F9C]  }
0x1a: {  	s8 =	sadd.s32 $0xFFFFE003, lr  }
0x1b: {  	s9 =	sadd.s32 $0xFFFFFEF7, lr;
	s5 =	simm.s32 $0xFFFFFFFF;
	p2 =	slt.u32 s8, $0xFFFFF086  }
0x1c: {  	p1 =	slt.u32 s9, $0xF7A;
	s5 =	simm.s32 @!p2 $0x0  }
0x1d: {  	s5 =	simm.s32 @p1 $0x1;
	p0 =	seq.s32 s7, s2  }
0x1e: {  	s7 =	smul.u32 @!p0 $0xF7A, s2;
	p2 =	seq.s32 @!p0 s5, $0x0  }
0x1f: {  	s9 =	smul.u32 $0xF7A, s1;
	s8 =	simm.s32 @!p0 $0x1BF5;
	p2 =	por !p2, p0  }
0x20: {  	[sflag:s8] =	ssyncset.s32 @!p0 $0xFFFFF086;
	s6 =	sadd.s32 @!p0 s3, s7;
	s7 =	simm.s32 @!p0 $0x108  }
0x21: {  	s3 =	sadd.s32 s3, s9;
	s6 =	sadd.s32 @!p0 $0x88, s6;
	s7 =	simm.s32 @p2 $0x1082  }
0x22: {  	[simem:s7], [sflag:s8] =	dma.local @!p0 [hbm:s6], $0xF7A  }
0x23: {  	s9 =	sor.u32 $0xD0000000, s2;
	s6 =	simm.s32 $0x108;
	_ =	swait.ge @!p0 [sflag:s8], $0x0  }
0x24: {  	s3 =	sadd.s32 $0x88, s3;
	s6 =	simm.s32 @!p1 $0x1082;
	[sflag:s4] =	ssyncset.s32 $0xFFFFF086  }
0x25: {  	[simem:s6], [sflag:s4] =	dma.local [hbm:s3], $0xF7A  }
0x26: {  	[smem:$0x3F9C] =	sst s1;
	(tag) =	ssettag s2;
	_ =	strace s9  }
0x27: {  	s1 =	sld [smem:$0x3FAC]  }
0x28: {  	s2 =	sld [smem:$0x3FAD]  }
0x29: {  	s4 =	sld [smem:$0x3FAF]  }
0x2a: {  	p0 =	seq.s32 s5, $0x0;
	s5 =	sld [smem:$0x3FB0]  }
0x2b: {  	s6 =	sld [smem:$0x3FB1]  }
0x2c: {  	s7 =	sld [smem:$0x3FB2]  }
0x2d: {  	s3 =	simm.s32 $0x108;
	s8 =	sld [smem:$0x3FB3]  }
0x2e: {  	s3 =	simm.s32 @!p0 $0x1082;
	s9 =	sld [smem:$0x3FB4]  }
0x2f: {  	lr =	sadd.s32 s0, s3;
	s0 =	sld [smem:$0x3FAB]  }
0x30: {  	s3 =	sld [smem:$0x3FAE]  }
0x31: {  	[smem:$0x3FB7] =	sst s10  }
0x32: {  	s10 =	sld [smem:$0x3FB5];
	_ =	sdelay $0x3  }
0x33: {  	p0 =	seq.s32 s10, $0x1;
	s10 =	sld [smem:$0x3FB7];
	_ =	sdelay $0x3  }
0x34: {  	[smem:$0x3FB7] =	sst s10  }
0x35: {  	s10 =	sld [smem:$0x3FB6];
	_ =	sdelay $0x3  }
0x36: {  	p1 =	seq.s32 s10, $0x1;
	s10 =	sld [smem:$0x3FB7];
	_ =	sdelay $0x3  }
0x37: {  	[smem:$0x3FB7] =	sst s10  }
0x38: {  	s10 =	sld [smem:$0x3FB8]  }
0x39: {  	_ = 	snop;
	(pc) =	sbr.ind lr, $3  }
0x3a: {  	_ = 	snop  }
0x3b: {  	_ = 	snop  }
0x3c: {  	p2 =	seq.s32 s10, $0x1;
	s10 =	sld [smem:$0x3FB7]  }
0x3d: {  	_ =	shalt  }
0x3e: {  	_ =	shalt  }
0x3f: {  	_ =	shalt  }
0x40: {  	_ =	shalt  }
0x41: {  	_ =	shalt  }
0x42: {  	_ =	shalt  }
0x43: {  	_ =	shalt  }
0x44: {  	_ =	shalt  }
0x45: {  	_ =	shalt  }
0x46: {  	_ =	shalt  }
0x47: {  	_ =	shalt  }
0x48: {  	_ =	shalt  }
0x49: {  	_ =	shalt  }
0x4a: {  	_ =	shalt  }
0x4b: {  	_ =	shalt  }
0x4c: {  	_ =	shalt  }
0x4d: {  	_ =	shalt  }
0x4e: {  	_ =	shalt  }
0x4f: {  	_ =	shalt  }
0x50: {  	_ =	shalt  }
0x51: {  	_ =	shalt  }
0x52: {  	_ =	shalt  }
0x53: {  	_ =	shalt  }
0x54: {  	_ =	shalt  }
0x55: {  	_ =	shalt  }
0x56: {  	_ =	shalt  }
0x57: {  	_ =	shalt  }
0x58: {  	_ =	shalt  }
0x59: {  	_ =	shalt  }
0x5a: {  	_ =	shalt  }
0x5b: {  	_ =	shalt  }
0x5c: {  	_ =	shalt  }
0x5d: {  	_ =	shalt  }
0x5e: {  	_ =	shalt  }
0x5f: {  	_ =	shalt  }
0x60: {  	_ =	shalt  }
0x61: {  	_ =	shalt  }
0x62: {  	_ =	shalt  }
0x63: {  	_ =	shalt  }
0x64: {  	_ =	shalt  }
0x65: {  	_ =	shalt  }
0x66: {  	_ =	shalt  }
0x67: {  	_ =	shalt  }
0x68: {  	_ =	shalt  }
0x69: {  	_ =	shalt  }
0x6a: {  	_ =	shalt  }
0x6b: {  	_ =	shalt  }
0x6c: {  	_ =	shalt  }
0x6d: {  	_ =	shalt  }
0x6e: {  	_ =	shalt  }
0x6f: {  	_ =	shalt  }
0x70: {  	_ =	shalt  }
0x71: {  	_ =	shalt  }
0x72: {  	_ =	shalt  }
0x73: {  	_ =	shalt  }
0x74: {  	_ =	shalt  }
0x75: {  	_ =	shalt  }
0x76: {  	_ =	shalt  }
0x77: {  	_ =	shalt  }
0x78: {  	_ =	shalt  }
0x79: {  	_ =	shalt  }
0x7a: {  	_ =	shalt  }
0x7b: {  	_ =	shalt  }
0x7c: {  	_ =	shalt  }
0x7d: {  	_ =	shalt  }
0x7e: {  	_ =	shalt  }
0x7f: {  	_ =	shalt  }
0x80: {  	_ =	shalt  }
0x81: {  	_ =	shalt  }
0x82: {  	_ =	shalt  }
0x83: {  	_ =	shalt  }
0x84: {  	_ =	shalt  }
0x85: {  	_ =	shalt  }
0x86: {  	_ =	shalt  }
0x87: {  	_ =	shalt  }
.Lfunc_end0:
.L_simem_size_0:
called_computation_lowered:
.L_overlay_start_0:
0x88: {  	s2 =	sld [smem:$0x3FD9]  }
0x89: {  	s3 =	sld [smem:$0x3FFE];
	_ =	sdelay $0x1  }
0x8a: {  	s1 =	srdreg.scid  }
0x8b: {  	s0 =	sand.u32 $0x1, s1  }
0x8c: {  	s16 =	sshll.u32 s0, $0xA;
	s2 =	sadd.s32 s3, s2  }
0x8d: {  	s2 =	sadd.s32 s2, s16  }
0x8e: {  	[smem:$0x3FC3] =	sst s2  }
0x8f: {  	_ = 	snop  }
0x90: {  	(tm) =	ssettm $0x1  }
0x91: {  	s17 =	sld [smem:$0x3FFB];
	_ =	sdelay $0x3  }
0x92: {  	_ =	strace s17  }
0x93: {  	s2 =	sld [smem:$0x3FFC];
	_ =	sdelay $0x3  }
0x94: {  	_ =	strace s2  }
0x95: {  	s2 =	sld [smem:$0x3FFD];
	_ =	sdelay $0x3  }
0x96: {  	_ =	strace s2  }
0x97: {  	_ =	strace $0x8FFFFFFF  }
0x98: {  	s18 =	sld [smem:$0x3FDB];
	_ =	sdelay $0x1  }
0x99: {  	s19 =	simm.s32 $_scs_section_size  }
0x9a: {  	s4 =	simm.s32 $_size__tile_overlayer_lowered;
	s5 =	simm.s32 $_tile_overlayer_lowered  }
0x9b: {  	s22 =	simm.s32 $0x1BFF;
	s21 =	sshll.u32 s5, $0x1;
	s2 =	sadd.s32 s19, s18  }
0x9c: {  	s6 =	simm.s32 $0x0;
	s20 =	sshll.u32 s4, $0x1;
	s4 =	sadd.s32 s21, s2  }
0x9d: {  	[timem:s6], [sflag:s22] =	dma.local [hbm:s4], s20  }
0x9e: {  	_ =	swait.ge [sflag:s22], s20  }
0x9f: {  	s3 =	ssub.s32 $0x0, s20;
	[sflag:s22] =	ssyncset.done $0x0  }
0xa0: {  	[sflag:s22] =	ssyncadd.s32 s3;
	_ =	sdelay $0x1  }
0xa1: {  	s23 =	simm.s32 $0x1B8B  }
0xa2: {  	_ =	swait.ge [sflag:s23], $0x1  }
0xa3: {  	[sflag:s23] =	ssyncset.done $0x0  }
0xa4: {  	s25 =	simm.s32 $0x1B8E;
	s24 =	sld [smem:$0x3FFE];
	[sflag:s23] =	ssyncadd.s32 $0xFFFFFFFF  }
0xa5: {  	s26 =	simm.s32 $execute0_lowered;
	[smem:$0x3FD2] =	sst s25  }
0xa6: {  	s4 =	sshll.u32 s26, $0x1;
	_ =	strace $0x80000046;
	[dreg:$0x1] =	wrdreg $0xFFFFFFFF  }
0xa7: {  	s28 =	simm.s32 $_size_execute0_lowered;
	s2 =	sadd.s32 s2, s4;
	[dreg:$0x0] =	wrdreg $0x0  }
0xa8: {  	s4 =	sshll.u32 s28, $0x1;
	[dreg:$0x2] =	wrdreg s2  }
0xa9: {  	[dreg:$0x3] =	wrdreg s4  }
0xaa: {  	[dreg:$0x4] =	wrdreg $0xC0  }
0xab: {  	_ =	task [dreg:s6], $0x5FFFF  }
0xac: {  	[dreg:$0x1] =	wrdreg $0xFFFFFFFF  }
0xad: {  	[dreg:$0x0] =	wrdreg $0x60  }
0xae: {  	[dreg:$0x2] =	wrdreg s24  }
0xaf: {  	[dreg:$0x3] =	wrdreg $0x9  }
0xb0: {  	_ =	task.clear_ibuf [dreg:s6], $0x4FFFF;
	_ =	strace $0x90000046  }
0xb1: {  	s29 =	simm.s32 $0x9;
	_ =	strace $0x80000048  }
0xb2: {  	_ =	swait.ge [sflag:s29], $0x1  }
0xb3: {  	[sflag:s29] =	ssyncadd.s32 $0xFFFFFFFF  }
0xb4: {  	_ =	strace $0x90000048  }
0xb5: {  	_ =	sfence  }
0xb6: {  	s30 =	sld [smem:$0x0];
	_ =	sdelay $0x2  }
0xb7: {  	s31 =	sshll.u32 s1, $0xD;
	s1 =	sshrl.u32 s1, $0x2  }
0xb8: {  	s3 =	sand.u32 $0x4000, s31;
	s1 =	sadd.s32 s1, s30  }
0xb9: {  	s0 =	sor.u32 s3, s0;
	s1 =	sshll.u32 s1, $0x11  }
0xba: {  	s0 =	sor.u32 s1, s0  }
0xbb: {  	s0 =	sadd.s32 $0x8F2B, s0  }
0xbc: {  	[sflag:s0] =	ssyncadd.remote.s32 $0x1  }
0xbd: {  	_ =	sfence.sel $0xFFFF  }
0xbe: {  	[dreg:$0x0] =	wrdreg $0xFFFFFFFF;
	(pc) =	sbr.abs _section_cstart, $3  }
0xbf: {  	[dreg:$0x1] =	wrdreg $0xFFFFFFFF  }
0xc0: {  	_ =	task.clear_ibuf [dreg:s6], $0x2FFFF;
	_ =	strace $0x9FFFFFFF  }
0xc1: {  	(tm) =	ssettm $0x7FFFFFFF  }
tec
execute0_lowered:
.L_overlay_start_1:
0x0: {  	(tag) =	ssettag $0x1  }
0x1: {  	s5 =	rddreg [dreg:$0x0]  }
0x2: {  	s0 =	rddreg [dreg:$0x1]  }
0x3: {  	s2 =	simm.s32 $0x0;
	s3 =	srdreg.scid;
	s1 =	stileid.u32  }
0x4: {  	s11 =	simm.s32 $0x2;
	s12 =	simm.s32 $0xFA0;
	s13 =	simm.s32 $0x3  }
0x5: {  	s14 =	simm.s32 $0x0;
	[smem:$0x7FF] =	sst s2;
	s7 =	smul.u32 $0x4E20, s1  }
0x6: {  	s6 =	sand.u32 $0x1, s3;
	s3 =	sadd.s32 $0x1E00, s5;
	s9 =	smul.u32 $0x9C40, s1  }
0x7: {  	s4 =	sadd.s32 $0x6E00, s5;
	s8 =	smul.u32 $0x2710, s6;
	s10 =	ssub.s32 $0x2, s6  }
0x8: {  	_ =	strace $0x80000047;
	s6 =	smul.u32 $0x4E20, s6;
	s30 =	sshrl.u32 s10, $0x1  }
0x9: {  	s9 =	sadd.s32 s9, s5;
	s7 =	sadd.s32 s8, s7;
	s8 =	ssub.s32 s10, s30  }
0xa: {  	s6 =	sadd.s32 s6, s9;
	s9 =	simm.s32 $0x7D0;
	s7 =	sshrl.u32 s7, $0x3  }
0xb: {  	s10 =	simm.s32 $0x1;
	s6 =	sadd.s32 $0x1FA00, s6;
	s31 =	sadd.s32 s7, s5  }
0xc: {  	s5 =	smax.u32 s8, $0x1;
	s7 =	sadd.s32 $0xBE00, s31;
	s8 =	sadd.s32 $0x15C00, s31  }
.LBB2_1:
0xd: {  	s15 =	sadd.s32 $0x0, s8  }
0xe: {  	[tilespmem:s2], [sflag:$0x1] =	stream.linear.gather [hbm4b:s15+s2], $0x7D0, $0x38;
	[tilespmem:$0x8CA0] =	vst v63  }
0xf: {  	s31 =	sadd.s32 $0x0, s7  }
0x10: {  	[tilespmem:s9], [sflag:$0x2] =	stream.linear.gather [hbm4b:s31+s2], $0x7D0, $0x38;
	[tilespmem:$0x8CA0] =	vst v63  }
0x11: {  	_ =	swait.ge [sflag:s10], $0x7D0  }
0x12: {  	[sflag:s10] =	ssyncset.done $0x0  }
0x13: {  	[sflag:s10] =	ssyncadd.s32 $0xFFFFF830  }
0x14: {  	_ =	swait.ge [sflag:s11], $0x7D0  }
0x15: {  	[sflag:s11] =	ssyncset.done $0x0  }
0x16: {  	[sflag:s11] =	ssyncadd.s32 $0xFFFFF830  }
0x17: {  	[tilespmem:s12], [sflag:$0x1] =	stream.indirect.gather [hbm4b:s3+s9], $0x10, s2, s9, $0xb8;
	[tilespmem:$0x8CA0] =	vst v63  }
0x18: {  	_ =	swait.ge [sflag:s10], $0x7D00  }
0x19: {  	[sflag:s10] =	ssyncset.done $0x0  }
0x1a: {  	[sflag:s10] =	ssyncadd.s32 $0xFFFF8300  }
0x1b: {  	[tilespmem:s12], [sflag:$0x2] =	stream.indirect.gather.add.f32 [hbm:s4], $0x10, s9, s9, $0xb8;
	[tilespmem:$0x8CA0] =	vst v63  }
0x1c: {  	_ =	swait.ge [sflag:s11], $0x7D00  }
0x1d: {  	[sflag:s11] =	ssyncset.done $0x0  }
0x1e: {  	[sflag:s11] =	ssyncadd.s32 $0xFFFF8300  }
0x1f: {  	[hbm4b:s6+s2] =	stream.linear.scatter [tilespmem:s12], [sflag:$0x3], $0x7D00, $0x38;
	[tilespmem:$0x8CA0] =	vst v63  }
0x20: {  	s16 =	simm.s32 $0xFA;
	_ =	swait.ge [sflag:s13], $0x7D00  }
0x21: {  	s17 =	simm.s32 $0x1F4;
	s15 =	sadd.s32 $0xFA0, s6;
	[sflag:s13] =	ssyncset.done $0x0  }
.LBB2_2:
0x22: {  	s18 =	sadd.s32 s16, s8  }
0x23: {  	[sflag:s13] =	ssyncadd.s32 $0xFFFF8300;
	s19 =	smov.u32 s17;
	s20 =	sadd.s32 $0xFA, s17  }
0x24: {  	[tilespmem:s2], [sflag:$0x1] =	stream.linear.gather [hbm4b:s18+s2], $0x7D0, $0x38;
	[tilespmem:$0x8CA0] =	vst v63  }
0x25: {  	p0 =	sne.s32 s17, $0x3E8;
	s17 =	sadd.s32 s16, s7;
	s16 =	smov.u32 s19  }
0x26: {  	[tilespmem:s9], [sflag:$0x2] =	stream.linear.gather [hbm4b:s17+s2], $0x7D0, $0x38;
	[tilespmem:$0x8CA0] =	vst v63  }
0x27: {  	_ =	swait.ge [sflag:s10], $0x7D0  }
0x28: {  	[sflag:s10] =	ssyncset.done $0x0  }
0x29: {  	[sflag:s10] =	ssyncadd.s32 $0xFFFFF830  }
0x2a: {  	_ =	swait.ge [sflag:s11], $0x7D0  }
0x2b: {  	[sflag:s11] =	ssyncset.done $0x0  }
0x2c: {  	[sflag:s11] =	ssyncadd.s32 $0xFFFFF830  }
0x2d: {  	[tilespmem:s12], [sflag:$0x1] =	stream.indirect.gather [hbm4b:s3+s9], $0x10, s2, s9, $0xb8;
	[tilespmem:$0x8CA0] =	vst v63  }
0x2e: {  	_ =	swait.ge [sflag:s10], $0x7D00  }
0x2f: {  	[sflag:s10] =	ssyncset.done $0x0  }
0x30: {  	[sflag:s10] =	ssyncadd.s32 $0xFFFF8300  }
0x31: {  	[tilespmem:s12], [sflag:$0x2] =	stream.indirect.gather.add.f32 [hbm:s4], $0x10, s9, s9, $0xb8;
	[tilespmem:$0x8CA0] =	vst v63  }
0x32: {  	_ =	swait.ge [sflag:s11], $0x7D00  }
.Ltmp0:
0x33: {  	[sflag:s11] =	ssyncset.done $0x0;
	(pc) =	sbr.rel @p0 .LBB2_2-.Ltmp0, $4  }
0x34: {  	[sflag:s11] =	ssyncadd.s32 $0xFFFF8300  }
0x35: {  	[hbm4b:s15+s2] =	stream.linear.scatter [tilespmem:s12], [sflag:$0x3], $0x7D00, $0x38;
	[tilespmem:$0x8CA0] =	vst v63  }
0x36: {  	_ =	swait.ge [sflag:s13], $0x7D00  }
0x37: {  	s17 =	smov.u32 s20;
	s15 =	sadd.s32 $0xFA0, s15;
	[sflag:s13] =	ssyncset.done $0x0  }
0x38: {  	s17 =	sadd.s32 s16, s8;
	[sflag:s13] =	ssyncadd.s32 $0xFFFF8300  }
0x39: {  	[tilespmem:s2], [sflag:$0x1] =	stream.linear.gather [hbm4b:s17+s2], $0x7D0, $0x38;
	[tilespmem:$0x8CA0] =	vst v63  }
0x3a: {  	s31 =	sadd.s32 s16, s7  }
0x3b: {  	[tilespmem:s9], [sflag:$0x2] =	stream.linear.gather [hbm4b:s31+s2], $0x7D0, $0x38;
	[tilespmem:$0x8CA0] =	vst v63  }
0x3c: {  	_ =	swait.ge [sflag:s10], $0x7D0  }
0x3d: {  	[sflag:s10] =	ssyncset.done $0x0  }
0x3e: {  	[sflag:s10] =	ssyncadd.s32 $0xFFFFF830  }
0x3f: {  	_ =	swait.ge [sflag:s11], $0x7D0  }
0x40: {  	[sflag:s11] =	ssyncset.done $0x0  }
0x41: {  	[sflag:s11] =	ssyncadd.s32 $0xFFFFF830  }
0x42: {  	[tilespmem:s12], [sflag:$0x1] =	stream.indirect.gather [hbm4b:s3+s9], $0x10, s2, s9, $0xb8;
	[tilespmem:$0x8CA0] =	vst v63  }
0x43: {  	_ =	swait.ge [sflag:s10], $0x7D00  }
0x44: {  	[sflag:s10] =	ssyncset.done $0x0  }
0x45: {  	[sflag:s10] =	ssyncadd.s32 $0xFFFF8300  }
0x46: {  	[tilespmem:s12], [sflag:$0x2] =	stream.indirect.gather.add.f32 [hbm:s4], $0x10, s9, s9, $0xb8;
	[tilespmem:$0x8CA0] =	vst v63  }
0x47: {  	s14 =	sadd.s32 $0x1, s14;
	_ =	swait.ge [sflag:s11], $0x7D00  }
0x48: {  	p0 =	sne.s32 s14, s5;
	[sflag:s11] =	ssyncset.done $0x0  }
.Ltmp1:
0x49: {  	[sflag:s11] =	ssyncadd.s32 $0xFFFF8300;
	(pc) =	sbr.rel @p0 .LBB2_1-.Ltmp1, $4  }
0x4a: {  	[hbm4b:s15+s2] =	stream.linear.scatter [tilespmem:s12], [sflag:$0x3], $0x7D00, $0x38;
	[tilespmem:$0x8CA0] =	vst v63  }
0x4b: {  	_ =	swait.ge [sflag:s13], $0x7D00  }
0x4c: {  	[sflag:s13] =	ssyncset.done $0x0  }
0x4d: {  	[sflag:s13] =	ssyncadd.s32 $0xFFFF8300  }
0x4e: {  	_ =	sfence.sel $0x180000  }
0x4f: {  	[bflag:$0x0] =	sbarrier.arrive $0xFFFF  }
0x50: {  	p0 =	sne.s32 s1, $0x0;
	_ =	strace $0x90000047  }
0x51: {  	s0 =	sadd.s32 @!p0 $0x100000, s0;
	[bflag:$0x2] =	sbarrier.arrive $0xFFFF  }
0x52: {  	[sflag:s0] =	ssyncadd.tile.s32 @!p0 $0x1;
	_ =	shalt  }
.Lfunc_end2:
_tile_overlayer_lowered:
.L_overlay_start_2:
0x53: {  	(tag) =	ssettag $0x2  }
0x54: {  	s0 =	rddreg [dreg:$0x0];
	s2 =	stileid.u32  }
0x55: {  	s1 =	rddreg [dreg:$0x1];
	p0 =	sne.s32 s2, $0x0  }
0x56: {  	s3 =	rddreg [dreg:$0x2];
	[bflag:$0x3] =	sbarrier.arrive $0xFFFF;
	s2 =	simm.s32 @!p0 $0x1C03  }
0x57: {  	[timem:s3], [sflag:s2] =	dma.local @!p0 [hbm:s0], s1  }
0x58: {  	s0 =	simm.s32 @!p0 $0x3  }
0x59: {  	_ =	swait.ge @!p0 [sflag:s0], s1  }
0x5a: {  	s1 =	ssub.s32 @!p0 $0x0, s1;
	[sflag:s0] =	ssyncset.done @!p0 $0x0  }
0x5b: {  	[sflag:s0] =	ssyncadd.s32 @!p0 s1  }
0x5c: {  	[bflag:$0x3] =	sbarrier.arrive $0xFFFF  }
0x5d: {  	_ =	shalt  }

</sc_bundles>
